<compile_context>
chip_gen: v7x
topology: tpu7x:2x2x1
jax: 0.10.2.dev20260603
libtpu: 0.0.44.dev20260713+nightly
codegen_flags: <defaults>
</compile_context>

<pallas_src>
import functools

import jax
import jax.numpy as jnp
from jax import lax
from jax.experimental import pallas as pl
from jax.experimental.pallas import tpu as pltpu
from jax.experimental.pallas import tpu_sc as plsc

_NUM_FIELDS = 26
_VOCAB = 100000
_EMBED_DIM = 128
_BATCH = 4096
_BATCH_LOG2 = 12
_TOTAL = _BATCH * _NUM_FIELDS
_NC = 2
_NS = 16
_NW = _NC * _NS
_PER_W = _TOTAL // _NW
_CHUNK = 416
_NCHUNK = _PER_W // _CHUNK
_NBUF = 2
_LANES = 16


def _body(xt_hbm, tab_hbm, out_hbm, idx_v, *scratch):
    rows_refs = scratch[:_NBUF]
    gsems = scratch[_NBUF:2 * _NBUF]
    wsems = scratch[2 * _NBUF:]
    wid = lax.axis_index("s") * _NC + lax.axis_index("c")
    base = wid * _PER_W

    pltpu.sync_copy(xt_hbm.at[pl.ds(base, _PER_W)], idx_v)

    def lane_body(i, carry):
        q = base + i * _LANES + lax.iota(jnp.int32, _LANES)
        f = lax.shift_right_logical(q, _BATCH_LOG2)
        sl = pl.ds(i * _LANES, _LANES)
        idx_v[sl] = idx_v[sl] + f * _VOCAB
        return carry

    lax.fori_loop(0, _PER_W // _LANES, lane_body, 0)

    def start_gather(c, rows, sem):
        return pltpu.async_copy(
            tab_hbm.at[idx_v.at[pl.ds(c * _CHUNK, _CHUNK)]], rows, sem)

    def wb(c, rows, sem):
        return pltpu.async_copy(
            rows, out_hbm.at[pl.ds(base + c * _CHUNK, _CHUNK)], sem)

    def drain_wb(rows, sem):
        pltpu.make_async_copy(rows, out_hbm.at[pl.ds(0, _CHUNK)], sem).wait()

    def round_body(rnd, carry):
        copies = []
        for b in range(_NBUF):
            c = rnd * _NBUF + b

            @pl.when(rnd >= 1)
            def _(b=b):
                drain_wb(rows_refs[b], wsems[b])

            copies.append(start_gather(c, rows_refs[b], gsems[b]))
        for b in range(_NBUF):
            c = rnd * _NBUF + b
            copies[b].wait()
            wb(c, rows_refs[b], wsems[b])
        return carry

    lax.fori_loop(0, _NCHUNK // _NBUF, round_body, 0)
    for b in range(_NBUF):
        drain_wb(rows_refs[b], wsems[b])


def kernel(x, tables):
    xt = x.T.reshape(_TOTAL)
    tab2d = tables.reshape(_NUM_FIELDS * _VOCAB, _EMBED_DIM)
    mesh = plsc.VectorSubcoreMesh(core_axis_name="c", subcore_axis_name="s")
    k = functools.partial(
        pl.kernel,
        mesh=mesh,
        out_type=jax.ShapeDtypeStruct((_TOTAL, _EMBED_DIM), jnp.float32),
        scratch_types=(
            [pltpu.VMEM((_PER_W,), jnp.int32)]
            + [pltpu.VMEM((_CHUNK, _EMBED_DIM), jnp.float32)] * _NBUF
            + [pltpu.SemaphoreType.DMA] * (2 * _NBUF)
        ),
    )(_body)
    out = k(xt, tab2d)
    return out.reshape(_NUM_FIELDS, _BATCH, _EMBED_DIM).transpose(1, 0, 2)

# --- scband reference (transcript-rebuilt; emitter-appended) ---
"""Pipeline reference for scband-features-embedding-40226663694749 (READ-ONLY COPY).

The authoritative reference and input builder live on the scoring server;
editing this copy changes nothing except your own understanding.
"""

import jax, jax.numpy as jnp
import numpy as np

NUM_FIELDS = 26
VOCAB = 100000
EMBED_DIM = 128
BATCH = 4096


def setup_inputs(seed: int = 0) -> dict:
    key = jax.random.key(seed)
    kx, kt = jax.random.split(key)
    x = jax.random.randint(kx, (BATCH, NUM_FIELDS), 0, VOCAB, dtype=jnp.int32)
    # Per-field embedding tables, stacked: [num_fields, vocab, embed_dim].
    # Xavier-uniform-ish init for an Embedding(vocab, embed_dim).
    limit = float(np.sqrt(6.0 / (VOCAB + EMBED_DIM)))
    tables = jax.random.uniform(kt, (NUM_FIELDS, VOCAB, EMBED_DIM), dtype=jnp.float32, minval=-limit, maxval=limit)
    return {"x": x, "tables": tables}


def reference(x, tables):
    # embed_x[b, f, :] = tables[f][x[b, f], :], then stacked along field axis (axis=1)
    f_idx = jnp.arange(tables.shape[0])[None, :]  # [1, num_fields]
    out = tables[f_idx, x]  # [batch, num_fields, embed_dim]
    return out

if __name__ == "__main__":
    import jax
    _d = setup_inputs()
    print(jax.jit(kernel)(*tuple(_d.values())))

</pallas_src>

<mosaic_0001>
#map = affine_map<(d0, d1) -> (0)>
#map1 = affine_map<(d0, d1) -> (0, 0)>
module attributes {stable_mosaic.version = 14 : i64} {
  func.func @_body(%arg0: i32, %arg1: i32, %arg2: memref<106496xi32, #tpu.memory_space<hbm>>, %arg3: memref<2600000x128xf32, #tpu.memory_space<hbm>>, %arg4: memref<106496x128xf32, #tpu.memory_space<hbm>>, %arg5: memref<3328xi32, #tpu.memory_space<vmem>>, %arg6: memref<416x128xf32, #tpu.memory_space<vmem>>, %arg7: memref<416x128xf32, #tpu.memory_space<vmem>>, %arg8: memref<!tpu.dma_semaphore, #tpu.memory_space<semaphore_mem>>, %arg9: memref<!tpu.dma_semaphore, #tpu.memory_space<semaphore_mem>>, %arg10: memref<!tpu.dma_semaphore, #tpu.memory_space<semaphore_mem>>, %arg11: memref<!tpu.dma_semaphore, #tpu.memory_space<semaphore_mem>>) attributes {dimension_semantics = [#tpu.dimension_semantics<core_parallel>, #tpu.dimension_semantics<subcore_parallel>], iteration_bounds = array<i64: 2, 16>, scalar_prefetch = 0 : i64, scratch_operands = 7 : i64, tpu.core_type = #tpu.core_type<sc_vector_subcore>, window_params = [{transform_indices = #map}, {transform_indices = #map1}, {transform_indices = #map1}]} {
    %mul3A = arith.constant 2 : i32
    %mul3A_0 = arith.muli %arg1, %mul3A : i32
    %add3A = arith.addi %mul3A_0, %arg0 : i32
    %mul3A_1 = arith.constant 3328 : i32
    %mul3A_2 = arith.muli %add3A, %mul3A_1 : i32
    "tpu.region"() ({
      %run_scoped3A = tpu.sem_alloc : memref<!tpu.dma_semaphore, #tpu.memory_space<semaphore_mem>>
      %dma_start3A = tpu.memref_slice %arg2[%mul3A_2] : memref<106496xi32, #tpu.memory_space<hbm>> -> memref<3328xi32, #tpu.memory_space<hbm>>
      %dma_start3A_25 = tpu.memref_slice %arg2[%mul3A_2] : memref<106496xi32, #tpu.memory_space<hbm>> -> memref<3328xi32, #tpu.memory_space<hbm>>
      tpu.enqueue_dma source(%dma_start3A_25 : memref<3328xi32, #tpu.memory_space<hbm>>) target(%arg5 : memref<3328xi32, #tpu.memory_space<vmem>>) target_semaphore(%run_scoped3A : memref<!tpu.dma_semaphore, #tpu.memory_space<semaphore_mem>>)
      %dma_wait3A_26 = tpu.memref_slice %arg2[%mul3A_2] : memref<106496xi32, #tpu.memory_space<hbm>> -> memref<3328xi32, #tpu.memory_space<hbm>>
      %dma_wait3A_27 = tpu.memref_slice %arg2[%mul3A_2] : memref<106496xi32, #tpu.memory_space<hbm>> -> memref<3328xi32, #tpu.memory_space<hbm>>
      tpu.wait_dma2 semaphore(%run_scoped3A : memref<!tpu.dma_semaphore, #tpu.memory_space<semaphore_mem>>) src(%dma_wait3A_27 : memref<3328xi32, #tpu.memory_space<hbm>>) dst(%arg5 : memref<3328xi32, #tpu.memory_space<vmem>>)
      tpu.yield
    }) : () -> ()
    %scan3A = arith.constant 0 : i32
    %scan3A_3 = arith.constant 0 : i32
    %scan3A_4 = arith.constant 208 : i32
    %scan3A_5 = arith.addi %scan3A_3, %scan3A_4 : i32
    %scan3A_6 = arith.constant 1 : i32
    scf.for %scan3A_25 = %scan3A_3 to %scan3A_5 step %scan3A_6  : i32 {
      %mul3A_26 = arith.constant 16 : i32
      %mul3A_27 = arith.muli %scan3A_25, %mul3A_26 : i32
      %add3A_28 = arith.addi %mul3A_2, %mul3A_27 : i32
      %iota3A = tpu.iota {dimensions = array<i32: 0>} : vector<16xi32>
      %add3A_29 = vector.broadcast %add3A_28 : i32 to vector<16xi32>
      %add3A_30 = arith.addi %add3A_29, %iota3A : vector<16xi32>
      %shift_right_logical3A = arith.constant 12 : i32
      %shift_right_logical3A_31 = vector.broadcast %shift_right_logical3A : i32 to vector<16xi32>
      %shift_right_logical3A_32 = arith.shrui %add3A_30, %shift_right_logical3A_31 : vector<16xi32>
      %mul3A_33 = arith.constant 16 : i32
      %mul3A_34 = arith.muli %scan3A_25, %mul3A_33 : i32
      %get3A = arith.index_cast %mul3A_34 : i32 to index
      %get3A_35 = tpu.vector_load %arg5[%get3A] {strides = array<i32>} : memref<3328xi32, #tpu.memory_space<vmem>>, vector<16xi32>,
      %get3A_36 = vector.shape_cast %get3A_35 : vector<16xi32> to vector<16xi32>
      %mul3A_37 = arith.constant 100000 : i32
      %mul3A_38 = vector.broadcast %mul3A_37 : i32 to vector<16xi32>
      %mul3A_39 = arith.muli %shift_right_logical3A_32, %mul3A_38 : vector<16xi32>
      %add3A_40 = arith.addi %get3A_36, %mul3A_39 : vector<16xi32>
      %swap3A = arith.index_cast %mul3A_34 : i32 to index
      %swap3A_41 = tpu.vector_load %arg5[%swap3A] {strides = array<i32>} : memref<3328xi32, #tpu.memory_space<vmem>>, vector<16xi32>,
      %swap3A_42 = vector.shape_cast %swap3A_41 : vector<16xi32> to vector<16xi32>
      %swap3A_43 = vector.shape_cast %add3A_40 : vector<16xi32> to vector<16xi32>
      tpu.vector_store %arg5[%swap3A], %swap3A_43 {strides = array<i32>} : memref<3328xi32, #tpu.memory_space<vmem>>, vector<16xi32>,
    }
    %scan3A_7 = arith.constant 208 : i32
    %scan3A_8 = arith.constant 0 : i32
    %scan3A_9 = arith.constant 0 : i32
    %scan3A_10 = arith.constant 4 : i32
    %scan3A_11 = arith.addi %scan3A_9, %scan3A_10 : i32
    %scan3A_12 = arith.constant 1 : i32
    scf.for %scan3A_25 = %scan3A_9 to %scan3A_11 step %scan3A_12  : i32 {
      %mul3A_26 = arith.constant 2 : i32
      %mul3A_27 = arith.muli %scan3A_25, %mul3A_26 : i32
      %add3A_28 = arith.constant 0 : i32
      %add3A_29 = arith.addi %mul3A_27, %add3A_28 : i32
      %ge3A = arith.constant 1 : i32
      %ge3A_30 = arith.cmpi sge, %scan3A_25, %ge3A : i32
      %convert_element_type3A = arith.extui %ge3A_30 : i1 to i32
      %cond3A = arith.constant 0 : i32
      %cond3A_31 = arith.cmpi ne, %convert_element_type3A, %cond3A : i32
      scf.if %cond3A_31 {
        %dma_wait3A_82 = arith.constant 0 : i32
        %dma_wait3A_83 = arith.constant 0 : i32
        %dma_wait3A_84 = tpu.memref_slice %arg4[%dma_wait3A_82, %dma_wait3A_83] : memref<106496x128xf32, #tpu.memory_space<hbm>> -> memref<416x128xf32, #tpu.memory_space<hbm>>
        %dma_wait3A_85 = arith.constant 0 : i32
        %dma_wait3A_86 = arith.constant 0 : i32
        %dma_wait3A_87 = tpu.memref_slice %arg4[%dma_wait3A_85, %dma_wait3A_86] : memref<106496x128xf32, #tpu.memory_space<hbm>> -> memref<416x128xf32, #tpu.memory_space<hbm>>
        tpu.wait_dma2 semaphore(%arg10 : memref<!tpu.dma_semaphore, #tpu.memory_space<semaphore_mem>>) src(%arg6 : memref<416x128xf32, #tpu.memory_space<vmem>>) dst(%dma_wait3A_87 : memref<416x128xf32, #tpu.memory_space<hbm>>)
      } else {
      }
      %mul3A_32 = arith.constant 416 : i32
      %mul3A_33 = arith.muli %add3A_29, %mul3A_32 : i32
      %dma_start3A = tpu.memref_slice %arg5[%mul3A_33] : memref<3328xi32, #tpu.memory_space<vmem>> -> memref<416xi32, #tpu.memory_space<vmem>>
      %dma_start3A_34 = arith.constant 0 : i32
      %dma_start3A_35 = arith.constant 0 : i32
      %dma_start3A_36 = tpu.memref_slice %arg3[%dma_start3A_34, %dma_start3A_35] : memref<2600000x128xf32, #tpu.memory_space<hbm>> -> memref<2600000x128xf32, #tpu.memory_space<hbm>>
      tpu.enqueue_indirect_dma source(%dma_start3A_36 : memref<2600000x128xf32, #tpu.memory_space<hbm>>) target(%arg6 : memref<416x128xf32, #tpu.memory_space<vmem>>) offsets(%dma_start3A : memref<416xi32, #tpu.memory_space<vmem>>) semaphore(%arg8 : memref<!tpu.dma_semaphore, #tpu.memory_space<semaphore_mem>>)
      %mul3A_37 = arith.constant 2 : i32
      %mul3A_38 = arith.muli %scan3A_25, %mul3A_37 : i32
      %add3A_39 = arith.constant 1 : i32
      %add3A_40 = arith.addi %mul3A_38, %add3A_39 : i32
      %ge3A_41 = arith.constant 1 : i32
      %ge3A_42 = arith.cmpi sge, %scan3A_25, %ge3A_41 : i32
      %convert_element_type3A_43 = arith.extui %ge3A_42 : i1 to i32
      %cond3A_44 = arith.constant 0 : i32
      %cond3A_45 = arith.cmpi ne, %convert_element_type3A_43, %cond3A_44 : i32
      scf.if %cond3A_45 {
        %dma_wait3A_82 = arith.constant 0 : i32
        %dma_wait3A_83 = arith.constant 0 : i32
        %dma_wait3A_84 = tpu.memref_slice %arg4[%dma_wait3A_82, %dma_wait3A_83] : memref<106496x128xf32, #tpu.memory_space<hbm>> -> memref<416x128xf32, #tpu.memory_space<hbm>>
        %dma_wait3A_85 = arith.constant 0 : i32
        %dma_wait3A_86 = arith.constant 0 : i32
        %dma_wait3A_87 = tpu.memref_slice %arg4[%dma_wait3A_85, %dma_wait3A_86] : memref<106496x128xf32, #tpu.memory_space<hbm>> -> memref<416x128xf32, #tpu.memory_space<hbm>>
        tpu.wait_dma2 semaphore(%arg11 : memref<!tpu.dma_semaphore, #tpu.memory_space<semaphore_mem>>) src(%arg7 : memref<416x128xf32, #tpu.memory_space<vmem>>) dst(%dma_wait3A_87 : memref<416x128xf32, #tpu.memory_space<hbm>>)
      } else {
      }
      %mul3A_46 = arith.constant 416 : i32
      %mul3A_47 = arith.muli %add3A_40, %mul3A_46 : i32
      %dma_start3A_48 = tpu.memref_slice %arg5[%mul3A_47] : memref<3328xi32, #tpu.memory_space<vmem>> -> memref<416xi32, #tpu.memory_space<vmem>>
      %dma_start3A_49 = arith.constant 0 : i32
      %dma_start3A_50 = arith.constant 0 : i32
      %dma_start3A_51 = tpu.memref_slice %arg3[%dma_start3A_49, %dma_start3A_50] : memref<2600000x128xf32, #tpu.memory_space<hbm>> -> memref<2600000x128xf32, #tpu.memory_space<hbm>>
      tpu.enqueue_indirect_dma source(%dma_start3A_51 : memref<2600000x128xf32, #tpu.memory_space<hbm>>) target(%arg7 : memref<416x128xf32, #tpu.memory_space<vmem>>) offsets(%dma_start3A_48 : memref<416xi32, #tpu.memory_space<vmem>>) semaphore(%arg9 : memref<!tpu.dma_semaphore, #tpu.memory_space<semaphore_mem>>)
      %mul3A_52 = arith.constant 2 : i32
      %mul3A_53 = arith.muli %scan3A_25, %mul3A_52 : i32
      %add3A_54 = arith.constant 0 : i32
      %add3A_55 = arith.addi %mul3A_53, %add3A_54 : i32
      %dma_wait3A_56 = tpu.memref_slice %arg5[%mul3A_33] : memref<3328xi32, #tpu.memory_space<vmem>> -> memref<416xi32, #tpu.memory_space<vmem>>
      %dma_wait3A_57 = arith.constant 0 : i32
      %dma_wait3A_58 = arith.constant 0 : i32
      %dma_wait3A_59 = tpu.memref_slice %arg3[%dma_wait3A_57, %dma_wait3A_58] : memref<2600000x128xf32, #tpu.memory_space<hbm>> -> memref<2600000x128xf32, #tpu.memory_space<hbm>>
      tpu.wait_indirect_dma semaphore(%arg8 : memref<!tpu.dma_semaphore, #tpu.memory_space<semaphore_mem>>) src(%dma_wait3A_59 : memref<2600000x128xf32, #tpu.memory_space<hbm>>) dst(%arg6 : memref<416x128xf32, #tpu.memory_space<vmem>>)
      %mul3A_60 = arith.constant 416 : i32
      %mul3A_61 = arith.muli %add3A_55, %mul3A_60 : i32
      %add3A_62 = arith.addi %mul3A_2, %mul3A_61 : i32
      %dma_start3A_63 = arith.constant 0 : i32
      %dma_start3A_64 = tpu.memref_slice %arg4[%add3A_62, %dma_start3A_63] : memref<106496x128xf32, #tpu.memory_space<hbm>> -> memref<416x128xf32, #tpu.memory_space<hbm>>
      %dma_start3A_65 = arith.constant 0 : i32
      %dma_start3A_66 = tpu.memref_slice %arg4[%add3A_62, %dma_start3A_65] : memref<106496x128xf32, #tpu.memory_space<hbm>> -> memref<416x128xf32, #tpu.memory_space<hbm>>
      tpu.enqueue_dma source(%arg6 : memref<416x128xf32, #tpu.memory_space<vmem>>) target(%dma_start3A_66 : memref<416x128xf32, #tpu.memory_space<hbm>>) target_semaphore(%arg10 : memref<!tpu.dma_semaphore, #tpu.memory_space<semaphore_mem>>)
      %mul3A_67 = arith.constant 2 : i32
      %mul3A_68 = arith.muli %scan3A_25, %mul3A_67 : i32
      %add3A_69 = arith.constant 1 : i32
      %add3A_70 = arith.addi %mul3A_68, %add3A_69 : i32
      %dma_wait3A_71 = tpu.memref_slice %arg5[%mul3A_47] : memref<3328xi32, #tpu.memory_space<vmem>> -> memref<416xi32, #tpu.memory_space<vmem>>
      %dma_wait3A_72 = arith.constant 0 : i32
      %dma_wait3A_73 = arith.constant 0 : i32
      %dma_wait3A_74 = tpu.memref_slice %arg3[%dma_wait3A_72, %dma_wait3A_73] : memref<2600000x128xf32, #tpu.memory_space<hbm>> -> memref<2600000x128xf32, #tpu.memory_space<hbm>>
      tpu.wait_indirect_dma semaphore(%arg9 : memref<!tpu.dma_semaphore, #tpu.memory_space<semaphore_mem>>) src(%dma_wait3A_74 : memref<2600000x128xf32, #tpu.memory_space<hbm>>) dst(%arg7 : memref<416x128xf32, #tpu.memory_space<vmem>>)
      %mul3A_75 = arith.constant 416 : i32
      %mul3A_76 = arith.muli %add3A_70, %mul3A_75 : i32
      %add3A_77 = arith.addi %mul3A_2, %mul3A_76 : i32
      %dma_start3A_78 = arith.constant 0 : i32
      %dma_start3A_79 = tpu.memref_slice %arg4[%add3A_77, %dma_start3A_78] : memref<106496x128xf32, #tpu.memory_space<hbm>> -> memref<416x128xf32, #tpu.memory_space<hbm>>
      %dma_start3A_80 = arith.constant 0 : i32
      %dma_start3A_81 = tpu.memref_slice %arg4[%add3A_77, %dma_start3A_80] : memref<106496x128xf32, #tpu.memory_space<hbm>> -> memref<416x128xf32, #tpu.memory_space<hbm>>
      tpu.enqueue_dma source(%arg7 : memref<416x128xf32, #tpu.memory_space<vmem>>) target(%dma_start3A_81 : memref<416x128xf32, #tpu.memory_space<hbm>>) target_semaphore(%arg11 : memref<!tpu.dma_semaphore, #tpu.memory_space<semaphore_mem>>)
    }
    %scan3A_13 = arith.constant 4 : i32
    %dma_wait3A = arith.constant 0 : i32
    %dma_wait3A_14 = arith.constant 0 : i32
    %dma_wait3A_15 = tpu.memref_slice %arg4[%dma_wait3A, %dma_wait3A_14] : memref<106496x128xf32, #tpu.memory_space<hbm>> -> memref<416x128xf32, #tpu.memory_space<hbm>>
    %dma_wait3A_16 = arith.constant 0 : i32
    %dma_wait3A_17 = arith.constant 0 : i32
    %dma_wait3A_18 = tpu.memref_slice %arg4[%dma_wait3A_16, %dma_wait3A_17] : memref<106496x128xf32, #tpu.memory_space<hbm>> -> memref<416x128xf32, #tpu.memory_space<hbm>>
    tpu.wait_dma2 semaphore(%arg10 : memref<!tpu.dma_semaphore, #tpu.memory_space<semaphore_mem>>) src(%arg6 : memref<416x128xf32, #tpu.memory_space<vmem>>) dst(%dma_wait3A_18 : memref<416x128xf32, #tpu.memory_space<hbm>>)
    %dma_wait3A_19 = arith.constant 0 : i32
    %dma_wait3A_20 = arith.constant 0 : i32
    %dma_wait3A_21 = tpu.memref_slice %arg4[%dma_wait3A_19, %dma_wait3A_20] : memref<106496x128xf32, #tpu.memory_space<hbm>> -> memref<416x128xf32, #tpu.memory_space<hbm>>
    %dma_wait3A_22 = arith.constant 0 : i32
    %dma_wait3A_23 = arith.constant 0 : i32
    %dma_wait3A_24 = tpu.memref_slice %arg4[%dma_wait3A_22, %dma_wait3A_23] : memref<106496x128xf32, #tpu.memory_space<hbm>> -> memref<416x128xf32, #tpu.memory_space<hbm>>
    tpu.wait_dma2 semaphore(%arg11 : memref<!tpu.dma_semaphore, #tpu.memory_space<semaphore_mem>>) src(%arg7 : memref<416x128xf32, #tpu.memory_space<vmem>>) dst(%dma_wait3A_24 : memref<416x128xf32, #tpu.memory_space<hbm>>)
    return
  }
}

</mosaic_0001>

<sc_bundles>
// kernel: kernel.3.cloned.1.call-start
scs
__scs_entry_jumppad:
0x0: {  	(pc) =	sbr.rel $0x88, $3  }
0x1: {  	(tag) =	ssettag $0x0;
	lr =	simm.s32 $0x1  }
0x2: {  	[smem:$0x3F9F] =	sst lr;
	_ =	strace $0xD0000000  }
0x3: {  	_ = 	snop  }
0x4: {  	_ = 	snop  }
0x5: {  	_ = 	snop  }
0x6: {  	_ = 	snop  }
0x7: {  	_ = 	snop  }
__scs_overlays_trampoline_lowered:
0x8: {  	[smem:$0x3FAE] =	sst s0  }
0x9: {  	[smem:$0x3FAF] =	sst s1  }
0xa: {  	[smem:$0x3FB0] =	sst s2  }
0xb: {  	[smem:$0x3FB1] =	sst s3  }
0xc: {  	[smem:$0x3FB2] =	sst s4  }
0xd: {  	[smem:$0x3FB3] =	sst s5  }
0xe: {  	[smem:$0x3FB4] =	sst s6  }
0xf: {  	[smem:$0x3FB5] =	sst s7  }
0x10: {  	[smem:$0x3FB6] =	sst s8  }
0x11: {  	[smem:$0x3FB7] =	sst s9;
	s0 =	simm.s32 @!p0 $0x0  }
0x12: {  	s1 =	sld [smem:$0x3F9D];
	s0 =	simm.s32 @p0 $0x1  }
0x13: {  	[smem:$0x3FB8] =	sst s0;
	s0 =	simm.s32 @!p1 $0x0  }
0x14: {  	s2 =	sld [smem:$0x3F9C];
	s0 =	simm.s32 @p1 $0x1  }
0x15: {  	[smem:$0x3FB9] =	sst s0;
	s0 =	simm.s32 @!p2 $0x0  }
0x16: {  	s3 =	sld [smem:$0x3FDB];
	s0 =	simm.s32 @p2 $0x1  }
0x17: {  	s4 =	simm.s32 $0x1BF5;
	[smem:$0x3FBB] =	sst s0  }
0x18: {  	s0 =	sld [smem:$0x3F9E];
	_ =	swait.ge [sflag:s4], $0x0  }
0x19: {  	s7 =	sld [smem:$0x3F9F]  }
0x1a: {  	s8 =	sadd.s32 $0xFFFFE003, lr  }
0x1b: {  	s9 =	sadd.s32 $0xFFFFFEF7, lr;
	s5 =	simm.s32 $0xFFFFFFFF;
	p2 =	slt.u32 s8, $0xFFFFF086  }
0x1c: {  	p1 =	slt.u32 s9, $0xF7A;
	s5 =	simm.s32 @!p2 $0x0  }
0x1d: {  	s5 =	simm.s32 @p1 $0x1;
	p0 =	seq.s32 s7, s2  }
0x1e: {  	s7 =	smul.u32 @!p0 $0xF7A, s2;
	p2 =	seq.s32 @!p0 s5, $0x0  }
0x1f: {  	s9 =	smul.u32 $0xF7A, s1;
	s8 =	simm.s32 @!p0 $0x1BF5;
	p2 =	por !p2, p0  }
0x20: {  	[sflag:s8] =	ssyncset.s32 @!p0 $0xFFFFF086;
	s6 =	sadd.s32 @!p0 s3, s7;
	s7 =	simm.s32 @!p0 $0x108  }
0x21: {  	s3 =	sadd.s32 s3, s9;
	s6 =	sadd.s32 @!p0 $0x88, s6;
	s7 =	simm.s32 @p2 $0x1082  }
0x22: {  	[simem:s7], [sflag:s8] =	dma.local @!p0 [hbm:s6], $0xF7A  }
0x23: {  	s9 =	sor.u32 $0xD0000000, s2;
	s6 =	simm.s32 $0x108;
	_ =	swait.ge @!p0 [sflag:s8], $0x0  }
0x24: {  	s3 =	sadd.s32 $0x88, s3;
	s6 =	simm.s32 @!p1 $0x1082;
	[sflag:s4] =	ssyncset.s32 $0xFFFFF086  }
0x25: {  	[simem:s6], [sflag:s4] =	dma.local [hbm:s3], $0xF7A  }
0x26: {  	[smem:$0x3F9F] =	sst s1;
	(tag) =	ssettag s2;
	_ =	strace s9  }
0x27: {  	s1 =	sld [smem:$0x3FAF]  }
0x28: {  	s2 =	sld [smem:$0x3FB0]  }
0x29: {  	s4 =	sld [smem:$0x3FB2]  }
0x2a: {  	p0 =	seq.s32 s5, $0x0;
	s5 =	sld [smem:$0x3FB3]  }
0x2b: {  	s6 =	sld [smem:$0x3FB4]  }
0x2c: {  	s7 =	sld [smem:$0x3FB5]  }
0x2d: {  	s3 =	simm.s32 $0x108;
	s8 =	sld [smem:$0x3FB6]  }
0x2e: {  	s3 =	simm.s32 @!p0 $0x1082;
	s9 =	sld [smem:$0x3FB7]  }
0x2f: {  	lr =	sadd.s32 s0, s3;
	s0 =	sld [smem:$0x3FAE]  }
0x30: {  	s3 =	sld [smem:$0x3FB1]  }
0x31: {  	[smem:$0x3FBA] =	sst s10  }
0x32: {  	s10 =	sld [smem:$0x3FB8];
	_ =	sdelay $0x3  }
0x33: {  	p0 =	seq.s32 s10, $0x1;
	s10 =	sld [smem:$0x3FBA];
	_ =	sdelay $0x3  }
0x34: {  	[smem:$0x3FBA] =	sst s10  }
0x35: {  	s10 =	sld [smem:$0x3FB9];
	_ =	sdelay $0x3  }
0x36: {  	p1 =	seq.s32 s10, $0x1;
	s10 =	sld [smem:$0x3FBA];
	_ =	sdelay $0x3  }
0x37: {  	[smem:$0x3FBA] =	sst s10  }
0x38: {  	s10 =	sld [smem:$0x3FBB]  }
0x39: {  	_ = 	snop;
	(pc) =	sbr.ind lr, $3  }
0x3a: {  	_ = 	snop  }
0x3b: {  	_ = 	snop  }
0x3c: {  	p2 =	seq.s32 s10, $0x1;
	s10 =	sld [smem:$0x3FBA]  }
0x3d: {  	_ =	shalt  }
0x3e: {  	_ =	shalt  }
0x3f: {  	_ =	shalt  }
0x40: {  	_ =	shalt  }
0x41: {  	_ =	shalt  }
0x42: {  	_ =	shalt  }
0x43: {  	_ =	shalt  }
0x44: {  	_ =	shalt  }
0x45: {  	_ =	shalt  }
0x46: {  	_ =	shalt  }
0x47: {  	_ =	shalt  }
0x48: {  	_ =	shalt  }
0x49: {  	_ =	shalt  }
0x4a: {  	_ =	shalt  }
0x4b: {  	_ =	shalt  }
0x4c: {  	_ =	shalt  }
0x4d: {  	_ =	shalt  }
0x4e: {  	_ =	shalt  }
0x4f: {  	_ =	shalt  }
0x50: {  	_ =	shalt  }
0x51: {  	_ =	shalt  }
0x52: {  	_ =	shalt  }
0x53: {  	_ =	shalt  }
0x54: {  	_ =	shalt  }
0x55: {  	_ =	shalt  }
0x56: {  	_ =	shalt  }
0x57: {  	_ =	shalt  }
0x58: {  	_ =	shalt  }
0x59: {  	_ =	shalt  }
0x5a: {  	_ =	shalt  }
0x5b: {  	_ =	shalt  }
0x5c: {  	_ =	shalt  }
0x5d: {  	_ =	shalt  }
0x5e: {  	_ =	shalt  }
0x5f: {  	_ =	shalt  }
0x60: {  	_ =	shalt  }
0x61: {  	_ =	shalt  }
0x62: {  	_ =	shalt  }
0x63: {  	_ =	shalt  }
0x64: {  	_ =	shalt  }
0x65: {  	_ =	shalt  }
0x66: {  	_ =	shalt  }
0x67: {  	_ =	shalt  }
0x68: {  	_ =	shalt  }
0x69: {  	_ =	shalt  }
0x6a: {  	_ =	shalt  }
0x6b: {  	_ =	shalt  }
0x6c: {  	_ =	shalt  }
0x6d: {  	_ =	shalt  }
0x6e: {  	_ =	shalt  }
0x6f: {  	_ =	shalt  }
0x70: {  	_ =	shalt  }
0x71: {  	_ =	shalt  }
0x72: {  	_ =	shalt  }
0x73: {  	_ =	shalt  }
0x74: {  	_ =	shalt  }
0x75: {  	_ =	shalt  }
0x76: {  	_ =	shalt  }
0x77: {  	_ =	shalt  }
0x78: {  	_ =	shalt  }
0x79: {  	_ =	shalt  }
0x7a: {  	_ =	shalt  }
0x7b: {  	_ =	shalt  }
0x7c: {  	_ =	shalt  }
0x7d: {  	_ =	shalt  }
0x7e: {  	_ =	shalt  }
0x7f: {  	_ =	shalt  }
0x80: {  	_ =	shalt  }
0x81: {  	_ =	shalt  }
0x82: {  	_ =	shalt  }
0x83: {  	_ =	shalt  }
0x84: {  	_ =	shalt  }
0x85: {  	_ =	shalt  }
0x86: {  	_ =	shalt  }
0x87: {  	_ =	shalt  }
.Lfunc_end0:
.L_simem_size_0:
called_computation_lowered:
.L_overlay_start_0:
0x88: {  	s2 =	sld [smem:$0x3FD9]  }
0x89: {  	s3 =	sld [smem:$0x3FFE];
	_ =	sdelay $0x1  }
0x8a: {  	s1 =	srdreg.scid  }
0x8b: {  	s0 =	sand.u32 $0x1, s1  }
0x8c: {  	s17 =	sshll.u32 s0, $0xA;
	s2 =	sadd.s32 s3, s2  }
0x8d: {  	s2 =	sadd.s32 s2, s17  }
0x8e: {  	[smem:$0x3FC6] =	sst s2  }
0x8f: {  	_ = 	snop  }
0x90: {  	s2 =	sld [smem:$0x3FC8]  }
0x91: {  	s18 =	sld [smem:$0x3FD0];
	(tm) =	ssettm $0x1  }
0x92: {  	s4 =	sld [smem:$0x3FFB];
	_ =	sdelay $0x3  }
0x93: {  	_ =	strace s4  }
0x94: {  	s4 =	sld [smem:$0x3FFC];
	_ =	sdelay $0x3  }
0x95: {  	_ =	strace s4  }
0x96: {  	s4 =	sld [smem:$0x3FFD];
	_ =	sdelay $0x3  }
0x97: {  	_ =	strace s4  }
0x98: {  	_ =	strace $0x8FFFFFFF  }
0x99: {  	s19 =	sld [smem:$0x3FDB];
	_ =	sdelay $0x1  }
0x9a: {  	s5 =	simm.s32 $_scs_section_size  }
0x9b: {  	s6 =	simm.s32 $_size__tile_overlayer_lowered;
	s7 =	simm.s32 $_tile_overlayer_lowered  }
0x9c: {  	s22 =	simm.s32 $0x1BFF;
	s21 =	sshll.u32 s7, $0x1;
	s4 =	sadd.s32 s5, s19  }
0x9d: {  	s8 =	simm.s32 $0x0;
	s20 =	sshll.u32 s6, $0x1;
	s6 =	sadd.s32 s21, s4  }
0x9e: {  	[timem:s8], [sflag:s22] =	dma.local [hbm:s6], s20  }
0x9f: {  	_ =	swait.ge [sflag:s22], s20  }
0xa0: {  	s5 =	ssub.s32 $0x0, s20;
	[sflag:s22] =	ssyncset.done $0x0  }
0xa1: {  	[sflag:s22] =	ssyncadd.s32 s5;
	_ =	sdelay $0x1  }
0xa2: {  	s23 =	simm.s32 $0x1B8B  }
0xa3: {  	_ =	swait.ge [sflag:s23], $0x1  }
0xa4: {  	[sflag:s23] =	ssyncset.done $0x0  }
0xa5: {  	s25 =	simm.s32 $0x1B8E;
	s24 =	sld [smem:$0x3FFE];
	[sflag:s23] =	ssyncadd.s32 $0xFFFFFFFF  }
0xa6: {  	s26 =	simm.s32 $execute0_lowered;
	[smem:$0x3FD2] =	sst s25  }
0xa7: {  	s6 =	sshll.u32 s26, $0x1;
	_ =	strace $0x80000046;
	[dreg:$0x1] =	wrdreg $0xFFFFFFFF  }
0xa8: {  	s28 =	simm.s32 $_size_execute0_lowered;
	s4 =	sadd.s32 s4, s6;
	[dreg:$0x0] =	wrdreg $0x0  }
0xa9: {  	s6 =	sshll.u32 s28, $0x1;
	[dreg:$0x2] =	wrdreg s4  }
0xaa: {  	[dreg:$0x3] =	wrdreg s6  }
0xab: {  	[dreg:$0x4] =	wrdreg $0xC0  }
0xac: {  	_ =	task [dreg:s8], $0x5FFFF  }
0xad: {  	[dreg:$0x1] =	wrdreg $0xFFFFFFFF  }
0xae: {  	[dreg:$0x0] =	wrdreg $0x60  }
0xaf: {  	[dreg:$0x2] =	wrdreg s24  }
0xb0: {  	[dreg:$0x3] =	wrdreg s2  }
0xb1: {  	[dreg:$0x4] =	wrdreg s18  }
0xb2: {  	[dreg:$0x5] =	wrdreg $0x9  }
0xb3: {  	_ =	task.clear_ibuf [dreg:s8], $0x6FFFF;
	_ =	strace $0x90000046  }
0xb4: {  	s29 =	simm.s32 $0x9;
	_ =	strace $0x80000048  }
0xb5: {  	_ =	swait.ge [sflag:s29], $0x1  }
0xb6: {  	[sflag:s29] =	ssyncadd.s32 $0xFFFFFFFF  }
0xb7: {  	_ =	strace $0x90000048  }
0xb8: {  	_ =	sfence  }
0xb9: {  	s30 =	sld [smem:$0x0];
	_ =	sdelay $0x2  }
0xba: {  	s31 =	sshll.u32 s1, $0xD;
	s1 =	sshrl.u32 s1, $0x2  }
0xbb: {  	s3 =	sand.u32 $0x4000, s31;
	s1 =	sadd.s32 s1, s30  }
0xbc: {  	s0 =	sor.u32 s3, s0;
	s1 =	sshll.u32 s1, $0x11  }
0xbd: {  	s0 =	sor.u32 s1, s0  }
0xbe: {  	s0 =	sadd.s32 $0x8F2B, s0  }
0xbf: {  	[sflag:s0] =	ssyncadd.remote.s32 $0x1  }
0xc0: {  	_ =	sfence.sel $0xFFFF  }
0xc1: {  	[dreg:$0x0] =	wrdreg $0xFFFFFFFF;
	(pc) =	sbr.abs _section_cstart, $3  }
0xc2: {  	[dreg:$0x1] =	wrdreg $0xFFFFFFFF  }
0xc3: {  	_ =	task.clear_ibuf [dreg:s8], $0x2FFFF;
	_ =	strace $0x9FFFFFFF  }
0xc4: {  	(tm) =	ssettm $0x7FFFFFFF  }
0xc5: {  	_ =	shalt  }
tec
execute0_lowered:
.L_overlay_start_1:
0x0: {  	(tag) =	ssettag $0x1  }
0x1: {  	s0 =	srdreg.scid;
	s1 =	rddreg [dreg:$0x0]  }
0x2: {  	s9 =	stileid.u32;
	s2 =	rddreg [dreg:$0x1]  }
0x3: {  	s6 =	rddreg [dreg:$0x2];
	s15 =	simm.s32 $0x5;
	s16 =	simm.s32 $0x1A0  }
0x4: {  	s17 =	simm.s32 $0xD00;
	s18 =	simm.s32 $0xDD00;
	s19 =	simm.s32 $0x1  }
0x5: {  	s20 =	simm.s32 $0x2;
	s21 =	simm.s32 $0x3;
	s22 =	simm.s32 $0x340  }
0x6: {  	s23 =	simm.s32 $0x4;
	s24 =	simm.s32 $0x4E0;
	s25 =	simm.s32 $0x680  }
0x7: {  	s0 =	sand.u32 $0x1, s0;
	s3 =	sshll.u32 s9, $0x1;
	s31 =	smul.u32 $0x1A00, s9  }
0x8: {  	s4 =	sor.u32 s0, s3;
	s7 =	ssub.s32 $0x2, s0;
	s0 =	smul.u32 $0xD00, s0  }
0x9: {  	s28 =	simm.s32 $0x9C0;
	s3 =	simm.s32 $0x0;
	s5 =	smul.u32 $0xD00, s4  }
0xa: {  	s29 =	simm.s32 $0xB60;
	[smem:$0x7FF] =	sst s3;
	s8 =	smul.u32 $0xD000, s4  }
0xb: {  	s30 =	simm.s32 $0x0;
	s26 =	sshrl.u32 s7, $0x1;
	_ =	strace $0x80000047  }
0xc: {  	s0 =	sadd.s32 s0, s31;
	s5 =	sshrl.u32 s5, $0x3;
	s6 =	sadd.s32 s6, s8  }
0xd: {  	s1 =	sadd.s32 s5, s1;
	s5 =	ssub.s32 s7, s26;
	s7 =	sadd.s32 $0x1A00, s6  }
0xe: {  	s8 =	sadd.s32 $0x3400, s6;
	s9 =	sadd.s32 $0x4E00, s6;
	s10 =	sadd.s32 $0x6800, s6  }
0xf: {  	s11 =	sadd.s32 $0x8200, s6;
	s12 =	sadd.s32 $0x9C00, s6;
	s13 =	sadd.s32 $0xB600, s6  }
0x10: {  	s26 =	simm.s32 $0x820;
	s4 =	sadd.s32 $0x400, s1;
	s5 =	smax.u32 s5, $0x1  }
.LBB2_1:
0x11: {  	[tilespmem:s3], [sflag:$0x5] =	stream.linear.gather [hbm4b:s4+s3], $0xD00, $0x38;
	[tilespmem:$0x1AD00] =	vst v63  }
0x12: {  	_ =	swait.ge [sflag:s15], $0xD00  }
0x13: {  	s31 =	simm.s32 $0x0;
	[sflag:s15] =	ssyncset.done $0x0  }
0x14: {  	v0 =	vmov s0;
	s1 =	simm.s32 $0x40;
	s14 =	smov.u32 s0;
	[sflag:s15] =	ssyncadd.s32 $0xFFFFF300  }
.LBB2_2:
0x15: {  	p0 =	sne.s32 s1, $0x33C0;
	v0 =	vshrl.u32 v0, $0xC;
	v1 =	vld [tilespmem:s31+$0x0]  }
0x16: {  	v0 =	vmul.u32 $0x186A0, v0  }
.Ltmp0:
0x17: {  	(pc) =	sbr.rel @p0 .LBB2_2-.Ltmp0, $3  }
0x18: {  	v0 =	vbroadcast v0, $0x0;
	_ =	sdelay $0x1  }
0x19: {  	s14 =	sadd.s32 $0x10, s14;
	v1 =	vadd.s32 v0, v1  }
0x1a: {  	v0 =	vmov s14;
	[tilespmem:s31+$0x0] =	vst v1;
	s31 =	sshra.s32 s1, $0x2;
	s1 =	sadd.s32 $0x40, s1  }
0x1b: {  	v0 =	vshrl.u32 v0, $0xC;
	v1 =	vld [tilespmem:s31+$0x0]  }
0x1c: {  	v0 =	vmul.u32 $0x186A0, v0;
	_ =	sdelay $0x1  }
0x1d: {  	v0 =	vbroadcast v0, $0x0;
	_ =	sdelay $0x1  }
0x1e: {  	v0 =	vadd.s32 v0, v1  }
0x1f: {  	[tilespmem:s31+$0x0] =	vst v0  }
0x20: {  	[tilespmem:s17], [sflag:$0x1] =	stream.indirect.gather [hbm4b:s2+s16], $0x80, s3, s16, $0xb8;
	[tilespmem:$0x1AD00] =	vst v63  }
0x21: {  	_ = 	snop  }
0x22: {  	[tilespmem:s18], [sflag:$0x2] =	stream.indirect.gather [hbm4b:s2+s16], $0x80, s16, s16, $0xb8;
	[tilespmem:$0x1AD00] =	vst v63  }
0x23: {  	_ =	swait.ge [sflag:s19], $0xD000  }
0x24: {  	[sflag:s19] =	ssyncset.done $0x0  }
0x25: {  	[sflag:s19] =	ssyncadd.s32 $0xFFFF3000  }
0x26: {  	[hbm4b:s6+s3] =	stream.linear.scatter [tilespmem:s17], [sflag:$0x3], $0xD000, $0x38;
	[tilespmem:$0x1AD00] =	vst v63  }
0x27: {  	_ =	swait.ge [sflag:s20], $0xD000  }
0x28: {  	[sflag:s20] =	ssyncset.done $0x0  }
0x29: {  	[sflag:s20] =	ssyncadd.s32 $0xFFFF3000  }
0x2a: {  	[hbm4b:s7+s3] =	stream.linear.scatter [tilespmem:s18], [sflag:$0x4], $0xD000, $0x38;
	[tilespmem:$0x1AD00] =	vst v63  }
0x2b: {  	_ =	swait.ge [sflag:s21], $0xD000  }
0x2c: {  	[sflag:s21] =	ssyncset.done $0x0  }
0x2d: {  	[sflag:s21] =	ssyncadd.s32 $0xFFFF3000  }
0x2e: {  	[tilespmem:s17], [sflag:$0x1] =	stream.indirect.gather [hbm4b:s2+s16], $0x80, s22, s16, $0xb8;
	[tilespmem:$0x1AD00] =	vst v63  }
0x2f: {  	_ =	swait.ge [sflag:s23], $0xD000  }
0x30: {  	[sflag:s23] =	ssyncset.done $0x0  }
0x31: {  	[sflag:s23] =	ssyncadd.s32 $0xFFFF3000  }
0x32: {  	[tilespmem:s18], [sflag:$0x2] =	stream.indirect.gather [hbm4b:s2+s16], $0x80, s24, s16, $0xb8;
	[tilespmem:$0x1AD00] =	vst v63  }
0x33: {  	_ =	swait.ge [sflag:s19], $0xD000  }
0x34: {  	[sflag:s19] =	ssyncset.done $0x0  }
0x35: {  	[sflag:s19] =	ssyncadd.s32 $0xFFFF3000  }
0x36: {  	[hbm4b:s8+s3] =	stream.linear.scatter [tilespmem:s17], [sflag:$0x3], $0xD000, $0x38;
	[tilespmem:$0x1AD00] =	vst v63  }
0x37: {  	_ =	swait.ge [sflag:s20], $0xD000  }
0x38: {  	[sflag:s20] =	ssyncset.done $0x0  }
0x39: {  	[sflag:s20] =	ssyncadd.s32 $0xFFFF3000  }
0x3a: {  	[hbm4b:s9+s3] =	stream.linear.scatter [tilespmem:s18], [sflag:$0x4], $0xD000, $0x38;
	[tilespmem:$0x1AD00] =	vst v63  }
0x3b: {  	_ =	swait.ge [sflag:s21], $0xD000  }
0x3c: {  	[sflag:s21] =	ssyncset.done $0x0  }
0x3d: {  	[sflag:s21] =	ssyncadd.s32 $0xFFFF3000  }
0x3e: {  	[tilespmem:s17], [sflag:$0x1] =	stream.indirect.gather [hbm4b:s2+s16], $0x80, s25, s16, $0xb8;
	[tilespmem:$0x1AD00] =	vst v63  }
0x3f: {  	_ =	swait.ge [sflag:s23], $0xD000  }
0x40: {  	[sflag:s23] =	ssyncset.done $0x0  }
0x41: {  	[sflag:s23] =	ssyncadd.s32 $0xFFFF3000  }
0x42: {  	[tilespmem:s18], [sflag:$0x2] =	stream.indirect.gather [hbm4b:s2+s16], $0x80, s26, s16, $0xb8;
	[tilespmem:$0x1AD00] =	vst v63  }
0x43: {  	_ =	swait.ge [sflag:s19], $0xD000  }
0x44: {  	[sflag:s19] =	ssyncset.done $0x0  }
0x45: {  	[sflag:s19] =	ssyncadd.s32 $0xFFFF3000  }
0x46: {  	[hbm4b:s10+s3] =	stream.linear.scatter [tilespmem:s17], [sflag:$0x3], $0xD000, $0x38;
	[tilespmem:$0x1AD00] =	vst v63  }
0x47: {  	_ =	swait.ge [sflag:s20], $0xD000  }
0x48: {  	[sflag:s20] =	ssyncset.done $0x0  }
0x49: {  	[sflag:s20] =	ssyncadd.s32 $0xFFFF3000  }
0x4a: {  	[hbm4b:s11+s3] =	stream.linear.scatter [tilespmem:s18], [sflag:$0x4], $0xD000, $0x38;
	[tilespmem:$0x1AD00] =	vst v63  }
0x4b: {  	_ =	swait.ge [sflag:s21], $0xD000  }
0x4c: {  	[sflag:s21] =	ssyncset.done $0x0  }
0x4d: {  	[sflag:s21] =	ssyncadd.s32 $0xFFFF3000  }
0x4e: {  	[tilespmem:s17], [sflag:$0x1] =	stream.indirect.gather [hbm4b:s2+s16], $0x80, s28, s16, $0xb8;
	[tilespmem:$0x1AD00] =	vst v63  }
0x4f: {  	_ =	swait.ge [sflag:s23], $0xD000  }
0x50: {  	[sflag:s23] =	ssyncset.done $0x0  }
0x51: {  	[sflag:s23] =	ssyncadd.s32 $0xFFFF3000  }
0x52: {  	[tilespmem:s18], [sflag:$0x2] =	stream.indirect.gather [hbm4b:s2+s16], $0x80, s29, s16, $0xb8;
	[tilespmem:$0x1AD00] =	vst v63  }
0x53: {  	_ =	swait.ge [sflag:s19], $0xD000  }
0x54: {  	[sflag:s19] =	ssyncset.done $0x0  }
0x55: {  	[sflag:s19] =	ssyncadd.s32 $0xFFFF3000  }
0x56: {  	[hbm4b:s12+s3] =	stream.linear.scatter [tilespmem:s17], [sflag:$0x3], $0xD000, $0x38;
	[tilespmem:$0x1AD00] =	vst v63  }
0x57: {  	_ =	swait.ge [sflag:s20], $0xD000  }
0x58: {  	[sflag:s20] =	ssyncset.done $0x0  }
0x59: {  	s30 =	sadd.s32 $0x1, s30;
	[sflag:s20] =	ssyncadd.s32 $0xFFFF3000  }
0x5a: {  	[hbm4b:s13+s3] =	stream.linear.scatter [tilespmem:s18], [sflag:$0x4], $0xD000, $0x38;
	[tilespmem:$0x1AD00] =	vst v63  }
0x5b: {  	p0 =	sne.s32 s30, s5;
	_ =	swait.ge [sflag:s21], $0xD000  }
.Ltmp1:
0x5c: {  	[sflag:s21] =	ssyncset.done $0x0;
	(pc) =	sbr.rel @p0 .LBB2_1-.Ltmp1, $4  }
0x5d: {  	[sflag:s21] =	ssyncadd.s32 $0xFFFF3000  }
0x5e: {  	_ =	swait.ge [sflag:s23], $0xD000  }
0x5f: {  	[sflag:s23] =	ssyncset.done $0x0  }
0x60: {  	[sflag:s23] =	ssyncadd.s32 $0xFFFF3000  }
0x61: {  	_ =	sfence.sel $0x180000  }
0x62: {  	[bflag:$0x0] =	sbarrier.arrive $0xFFFF  }
0x63: {  	_ =	strace $0x90000047  }
0x64: {  	s0 =	stileid.u32;
	[bflag:$0x2] =	sbarrier.arrive $0xFFFF  }
0x65: {  	p0 =	sne.s32 s0, $0x0;
	s0 =	rddreg [dreg:$0x3]  }
0x66: {  	s0 =	sadd.s32 @!p0 $0x100000, s0  }
0x67: {  	[sflag:s0] =	ssyncadd.tile.s32 @!p0 $0x1;
	_ =	shalt  }
.Lfunc_end2:
_tile_overlayer_lowered:
.L_overlay_start_2:
0x68: {  	(tag) =	ssettag $0x2  }
0x69: {  	s0 =	rddreg [dreg:$0x0];
	s2 =	stileid.u32  }
0x6a: {  	s1 =	rddreg [dreg:$0x1];
	p0 =	sne.s32 s2, $0x0  }
0x6b: {  	s3 =	rddreg [dreg:$0x2];
	[bflag:$0x3] =	sbarrier.arrive $0xFFFF;
	s2 =	simm.s32 @!p0 $0x1C05  }
0x6c: {  	[timem:s3], [sflag:s2] =	dma.local @!p0 [hbm:s0], s1  }
0x6d: {  	s0 =	simm.s32 @!p0 $0x5  }
0x6e: {  	_ =	swait.ge @!p0 [sflag:s0], s1  }
0x6f: {  	s1 =	ssub.s32 @!p0 $0x0, s1;
	[sflag:s0] =	ssyncset.done @!p0 $0x0  }
0x70: {  	[sflag:s0] =	ssyncadd.s32 @!p0 s1  }
0x71: {  	[bflag:$0x3] =	sbarrier.arrive $0xFFFF  }
0x72: {  	_ =	shalt  }

</sc_bundles>
